<compile_context>
chip_gen: v7x
topology: tpu7x:2x2x1
jax: 0.10.2.dev20260603
libtpu: 0.0.44.dev20260713+nightly
codegen_flags: <defaults>
</compile_context>

<pallas_src>
import functools

import jax
import jax.numpy as jnp
from jax import lax
from jax.experimental import pallas as pl
from jax.experimental.pallas import tpu as pltpu
from jax.experimental.pallas import tpu_sc as plsc

_B, _N, _D_IN, _D_H, _R = 256, 64, 128, 128, 64
_E = 1024
_DG = 256
_CB = 16384
_NN = _N * _N


def _sc_body(edge_ref, out_ref, src_v, idx_v, ones_v, acc_v, shared_v):
    cid = lax.axis_index("c")
    sid = lax.axis_index("s")

    @pl.when(jnp.logical_and(cid == 0, sid == 0))
    def _():
        pltpu.sync_copy(edge_ref.at[0], src_v)
        pltpu.sync_copy(edge_ref.at[1], idx_v)

        def zero_step(i, _):
            acc_v[pl.ds(i * 16, 16)] = jnp.zeros((16,), jnp.float32)
            return 0

        lax.fori_loop(0, _NN // 16, zero_step, 0)

        def idx_step(i, _):
            s = src_v[pl.ds(i * 16, 16)]
            d = idx_v[pl.ds(i * 16, 16)]
            idx_v[pl.ds(i * 16, 16)] = d * _N + s
            ones_v[pl.ds(i * 16, 16)] = jnp.ones((16,), jnp.float32)
            return 0

        lax.fori_loop(0, _E // 16, idx_step, 0)

        pltpu.sync_copy(acc_v, shared_v)
        pltpu.sync_copy(ones_v, shared_v.at[idx_v], add=True)
        pltpu.sync_copy(shared_v, out_ref)


@functools.cache
def _sc_counts_kernel():
    mesh = plsc.VectorSubcoreMesh(
        core_axis_name="c", subcore_axis_name="s", num_cores=1
    )
    return pl.kernel(
        _sc_body,
        out_type=jax.ShapeDtypeStruct((_NN,), jnp.float32),
        mesh=mesh,
        scratch_types=[
            pltpu.VMEM((_E,), jnp.int32),
            pltpu.VMEM((_E,), jnp.int32),
            pltpu.VMEM((_E,), jnp.float32),
            pltpu.VMEM((_NN,), jnp.float32),
            pltpu.VMEM_SHARED((_NN,), jnp.float32),
        ],
    )


def _sc_counts(edge_index):
    return _sc_counts_kernel()(edge_index)




_K1N = 16


def _k1_body(x_ref, w1_ref, out_ref):
    w1 = w1_ref[...]
    x = x_ref[...]
    for k in range(_K1N):
        out_ref[k] = jnp.dot(
            x[:, k, :], w1, preferred_element_type=jnp.float32
        )


def _k1(x, w1):
    return pl.pallas_call(
        _k1_body,
        grid=(_N // _K1N,),
        in_specs=[
            pl.BlockSpec((_B, _K1N, _D_IN), lambda n: (0, n, 0)),
            pl.BlockSpec((_D_IN, _D_H), lambda n: (0, 0)),
        ],
        out_specs=pl.BlockSpec((_K1N, _B, _D_H), lambda n: (n, 0, 0)),
        out_shape=jax.ShapeDtypeStruct((_N, _B, _D_H), jnp.float32),
    )(x, w1)




_BB = _CB // _D_H


def _k2_body(
    x_ref, c_ref, w1_ref, w2_ref, b1t_ref, b2_ref, wg1_ref, bg1_ref, wg2_ref,
    bg2_ref, wmu_ref, bmu_ref, wlv_ref, blv_ref, mu_ref, lv_ref,
):
    c1 = c_ref[...]
    c = jnp.concatenate(
        [c1[i * _N:(i + 1) * _N][None, :] for i in range(_N)], axis=0
    )
    rows = lax.broadcasted_iota(jnp.int32, (_N, _N), 0)
    cols = lax.broadcasted_iota(jnp.int32, (_N, _N), 1)
    cf = c + (rows == cols).astype(jnp.float32)
    deg = jnp.sum(cf, axis=1)
    dinv = lax.rsqrt(deg)
    a_hat = cf * dinv[:, None] * dinv[None, :]

    x = x_ref[...]
    xw0 = jnp.dot(
        x.reshape(_BB * _N, _D_IN), w1_ref[...], preferred_element_type=jnp.float32
    )
    xw = jnp.transpose(xw0.reshape(_BB, _N, _D_H), (1, 0, 2)).reshape(_N, _CB)
    m1 = jnp.dot(a_hat, xw, preferred_element_type=jnp.float32)
    h1 = jnp.maximum(m1 + b1t_ref[...], 0.0)
    m2 = jnp.dot(a_hat, h1, preferred_element_type=jnp.float32)
    xw2 = jnp.dot(
        m2.reshape(_N * _BB, _D_H), w2_ref[...], preferred_element_type=jnp.float32
    )
    h2 = jnp.maximum(xw2 + b2_ref[...][None, :], 0.0)

    flat = jnp.transpose(h2.reshape(_N, _BB, _D_H), (1, 0, 2)).reshape(
        _BB, _N * _D_H
    )
    g = jnp.maximum(
        jnp.dot(flat, wg1_ref[...], preferred_element_type=jnp.float32)
        + bg1_ref[...][None, :],
        0.0,
    )
    g2 = (
        jnp.dot(g, wg2_ref[...], preferred_element_type=jnp.float32)
        + bg2_ref[...][None, :]
    )
    mu_ref[...] = (
        jnp.dot(g2, wmu_ref[...], preferred_element_type=jnp.float32)
        + bmu_ref[...][None, :]
    )
    lv_ref[...] = (
        jnp.dot(g2, wlv_ref[...], preferred_element_type=jnp.float32)
        + blv_ref[...][None, :]
    )


def _k2(x, c_flat, w1, w2, b1t, b2, wg1, bg1, wg2, bg2, wmu, bmu, wlv, blv):
    nsteps = _B // _BB
    return pl.pallas_call(
        _k2_body,
        grid=(nsteps,),
        in_specs=[
            pl.BlockSpec((_BB, _N, _D_IN), lambda j: (j, 0, 0)),
            pl.BlockSpec((_NN,), lambda j: (0,)),
            pl.BlockSpec((_D_IN, _D_H), lambda j: (0, 0)),
            pl.BlockSpec((_D_H, _D_H), lambda j: (0, 0)),
            pl.BlockSpec((1, _CB), lambda j: (0, 0)),
            pl.BlockSpec((_D_H,), lambda j: (0,)),
            pl.BlockSpec((_N * _D_H, _DG), lambda j: (0, 0)),
            pl.BlockSpec((_DG,), lambda j: (0,)),
            pl.BlockSpec((_DG, _D_H), lambda j: (0, 0)),
            pl.BlockSpec((_D_H,), lambda j: (0,)),
            pl.BlockSpec((_D_H, _R), lambda j: (0, 0)),
            pl.BlockSpec((_R,), lambda j: (0,)),
            pl.BlockSpec((_D_H, _R), lambda j: (0, 0)),
            pl.BlockSpec((_R,), lambda j: (0,)),
        ],
        out_specs=[
            pl.BlockSpec((_BB, _R), lambda j: (j, 0)),
            pl.BlockSpec((_BB, _R), lambda j: (j, 0)),
        ],
        out_shape=[
            jax.ShapeDtypeStruct((_B, _R), jnp.float32),
            jax.ShapeDtypeStruct((_B, _R), jnp.float32),
        ],
    )(x, c_flat, w1, w2, b1t, b2, wg1, bg1, wg2, bg2, wmu, bmu, wlv, blv)




@jax.jit
def kernel(x, edge_index, W1, b1, W2, b2, Wg1, bg1, Wg2, bg2, Wmu, bmu, Wlv, blv):
    c_flat = _sc_counts(edge_index)
    b1t = jnp.tile(b1, _BB).reshape(1, _CB)
    mu, lv = _k2(
        x, c_flat, W1, W2, b1t, b2, Wg1, bg1, Wg2, bg2, Wmu, bmu, Wlv, blv
    )
    return (mu, lv)

# --- scband reference (transcript-rebuilt; emitter-appended) ---
"""Pipeline reference for scband-relational-gnn-86397562126680 (READ-ONLY COPY).

The authoritative reference and input builder live on the scoring server;
editing this copy changes nothing except your own understanding.
"""

import jax, jax.numpy as jnp
import numpy as np

B, N, D_IN, D_H, R_DIM = 256, 64, 128, 128, 64
E = 1024


def setup_inputs(seed: int = 0) -> dict:
    key = jax.random.key(seed)
    ks = jax.random.split(key, 16)
    x = jax.random.normal(ks[0], (B, N, D_IN), dtype=jnp.float32)
    edge_index = jax.random.randint(ks[1], (2, E), 0, N, dtype=jnp.int32)
    s_in = 1.0 / np.sqrt(D_IN)
    s_h = 1.0 / np.sqrt(D_H)
    s_g = 1.0 / np.sqrt(N * D_H)
    s_256 = 1.0 / np.sqrt(256)
    W1 = jax.random.normal(ks[2], (D_IN, D_H), dtype=jnp.float32) * s_in
    b1 = jnp.zeros((D_H,), dtype=jnp.float32)
    W2 = jax.random.normal(ks[3], (D_H, D_H), dtype=jnp.float32) * s_h
    b2 = jnp.zeros((D_H,), dtype=jnp.float32)
    Wg1 = jax.random.normal(ks[4], (N * D_H, 256), dtype=jnp.float32) * s_g
    bg1 = jnp.zeros((256,), dtype=jnp.float32)
    Wg2 = jax.random.normal(ks[5], (256, D_H), dtype=jnp.float32) * s_256
    bg2 = jnp.zeros((D_H,), dtype=jnp.float32)
    Wmu = jax.random.normal(ks[6], (D_H, R_DIM), dtype=jnp.float32) * s_h
    bmu = jnp.zeros((R_DIM,), dtype=jnp.float32)
    Wlv = jax.random.normal(ks[7], (D_H, R_DIM), dtype=jnp.float32) * s_h
    blv = jnp.zeros((R_DIM,), dtype=jnp.float32)
    return {"x": x, "edge_index": edge_index, "W1": W1, "b1": b1, "W2": W2, "b2": b2,
            "Wg1": Wg1, "bg1": bg1, "Wg2": Wg2, "bg2": bg2,
            "Wmu": Wmu, "bmu": bmu, "Wlv": Wlv, "blv": blv}


def _gcn_conv(x, edge_index, W, b):
    # GCNConv: x' = D^{-1/2} (A + I) D^{-1/2} (x W) + b, shared edge_index across batch
    src = edge_index[0]
    dst = edge_index[1]
    loop = jnp.arange(N, dtype=src.dtype)
    src2 = jnp.concatenate([src, loop])
    dst2 = jnp.concatenate([dst, loop])
    deg = jnp.zeros((N,), dtype=jnp.float32).at[dst2].add(1.0)
    dinv = 1.0 / jnp.sqrt(deg)
    norm = dinv[src2] * dinv[dst2]
    xw = x @ W  # [B, N, d_out]
    msg = jnp.take(xw, src2, axis=1) * norm[None, :, None]  # gather [B, E+N, d_out]
    agg = jnp.zeros_like(xw).at[:, dst2, :].add(msg)  # scatter-add
    return agg + b


def reference(x, edge_index, W1, b1, W2, b2, Wg1, bg1, Wg2, bg2, Wmu, bmu, Wlv, blv):
    h = jax.nn.relu(_gcn_conv(x, edge_index, W1, b1))
    h = jax.nn.relu(_gcn_conv(h, edge_index, W2, b2))
    flat = h.reshape(B, N * D_H)
    g = jax.nn.relu(flat @ Wg1 + bg1)
    g = g @ Wg2 + bg2
    mu_q = g @ Wmu + bmu
    logvar_q = g @ Wlv + blv
    return (mu_q, logvar_q)

if __name__ == "__main__":
    import jax
    _d = setup_inputs()
    print(jax.jit(kernel)(*tuple(_d.values())))

</pallas_src>

<mosaic_0001>
#map = affine_map<(d0, d1) -> (0, 0)>
#map1 = affine_map<(d0, d1) -> (0)>
module attributes {stable_mosaic.version = 14 : i64} {
  func.func @_sc_body(%arg0: i32, %arg1: i32, %arg2: memref<2x1024xi32, #tpu.memory_space<hbm>>, %arg3: memref<4096xf32, #tpu.memory_space<hbm>>, %arg4: memref<1024xi32, #tpu.memory_space<vmem>>, %arg5: memref<1024xi32, #tpu.memory_space<vmem>>, %arg6: memref<1024xf32, #tpu.memory_space<vmem>>, %arg7: memref<4096xf32, #tpu.memory_space<vmem>>, %arg8: memref<4096xf32, #tpu.memory_space<vmem_shared>>) attributes {dimension_semantics = [#tpu.dimension_semantics<core_parallel>, #tpu.dimension_semantics<subcore_parallel>], iteration_bounds = array<i64: 1, 16>, scalar_prefetch = 0 : i64, scratch_operands = 5 : i64, tpu.core_type = #tpu.core_type<sc_vector_subcore>, window_params = [{transform_indices = #map}, {transform_indices = #map1}]} {
    %eq3A = arith.constant 0 : i32
    %eq3A_0 = arith.cmpi eq, %arg0, %eq3A : i32
    %eq3A_1 = arith.constant 0 : i32
    %eq3A_2 = arith.cmpi eq, %arg1, %eq3A_1 : i32
    %and3A = arith.andi %eq3A_0, %eq3A_2 : i1
    %convert_element_type3A = arith.extui %and3A : i1 to i32
    %cond3A = arith.constant 0 : i32
    %cond3A_3 = arith.cmpi ne, %convert_element_type3A, %cond3A : i32
    scf.if %cond3A_3 {
      %run_scoped3A = arith.constant 0 : i32
      "tpu.region"() ({
        %run_scoped3A_18 = tpu.sem_alloc : memref<!tpu.dma_semaphore, #tpu.memory_space<semaphore_mem>>
        %dma_start3A = arith.constant 0 : i32
        %dma_start3A_19 = tpu.memref_slice %arg2[%run_scoped3A, %dma_start3A] : memref<2x1024xi32, #tpu.memory_space<hbm>> -> memref<1x1024xi32, #tpu.memory_space<hbm>>
        %dma_start3A_20 = tpu.memref_squeeze %dma_start3A_19 : memref<1x1024xi32, #tpu.memory_space<hbm>> -> memref<1024xi32, #tpu.memory_space<hbm>>
        %dma_start3A_21 = arith.constant 0 : i32
        %dma_start3A_22 = tpu.memref_slice %arg2[%run_scoped3A, %dma_start3A_21] : memref<2x1024xi32, #tpu.memory_space<hbm>> -> memref<1x1024xi32, #tpu.memory_space<hbm>>
        %dma_start3A_23 = tpu.memref_squeeze %dma_start3A_22 : memref<1x1024xi32, #tpu.memory_space<hbm>> -> memref<1024xi32, #tpu.memory_space<hbm>>
        tpu.enqueue_dma source(%dma_start3A_23 : memref<1024xi32, #tpu.memory_space<hbm>>) target(%arg4 : memref<1024xi32, #tpu.memory_space<vmem>>) target_semaphore(%run_scoped3A_18 : memref<!tpu.dma_semaphore, #tpu.memory_space<semaphore_mem>>)
        %dma_wait3A = arith.constant 0 : i32
        %dma_wait3A_24 = tpu.memref_slice %arg2[%run_scoped3A, %dma_wait3A] : memref<2x1024xi32, #tpu.memory_space<hbm>> -> memref<1x1024xi32, #tpu.memory_space<hbm>>
        %dma_wait3A_25 = tpu.memref_squeeze %dma_wait3A_24 : memref<1x1024xi32, #tpu.memory_space<hbm>> -> memref<1024xi32, #tpu.memory_space<hbm>>
        %dma_wait3A_26 = arith.constant 0 : i32
        %dma_wait3A_27 = tpu.memref_slice %arg2[%run_scoped3A, %dma_wait3A_26] : memref<2x1024xi32, #tpu.memory_space<hbm>> -> memref<1x1024xi32, #tpu.memory_space<hbm>>
        %dma_wait3A_28 = tpu.memref_squeeze %dma_wait3A_27 : memref<1x1024xi32, #tpu.memory_space<hbm>> -> memref<1024xi32, #tpu.memory_space<hbm>>
        tpu.wait_dma2 semaphore(%run_scoped3A_18 : memref<!tpu.dma_semaphore, #tpu.memory_space<semaphore_mem>>) src(%dma_wait3A_28 : memref<1024xi32, #tpu.memory_space<hbm>>) dst(%arg4 : memref<1024xi32, #tpu.memory_space<vmem>>)
        tpu.yield
      }) : () -> ()
      %run_scoped3A_4 = arith.constant 1 : i32
      "tpu.region"() ({
        %run_scoped3A_18 = tpu.sem_alloc : memref<!tpu.dma_semaphore, #tpu.memory_space<semaphore_mem>>
        %dma_start3A = arith.constant 0 : i32
        %dma_start3A_19 = tpu.memref_slice %arg2[%run_scoped3A_4, %dma_start3A] : memref<2x1024xi32, #tpu.memory_space<hbm>> -> memref<1x1024xi32, #tpu.memory_space<hbm>>
        %dma_start3A_20 = tpu.memref_squeeze %dma_start3A_19 : memref<1x1024xi32, #tpu.memory_space<hbm>> -> memref<1024xi32, #tpu.memory_space<hbm>>
        %dma_start3A_21 = arith.constant 0 : i32
        %dma_start3A_22 = tpu.memref_slice %arg2[%run_scoped3A_4, %dma_start3A_21] : memref<2x1024xi32, #tpu.memory_space<hbm>> -> memref<1x1024xi32, #tpu.memory_space<hbm>>
        %dma_start3A_23 = tpu.memref_squeeze %dma_start3A_22 : memref<1x1024xi32, #tpu.memory_space<hbm>> -> memref<1024xi32, #tpu.memory_space<hbm>>
        tpu.enqueue_dma source(%dma_start3A_23 : memref<1024xi32, #tpu.memory_space<hbm>>) target(%arg5 : memref<1024xi32, #tpu.memory_space<vmem>>) target_semaphore(%run_scoped3A_18 : memref<!tpu.dma_semaphore, #tpu.memory_space<semaphore_mem>>)
        %dma_wait3A = arith.constant 0 : i32
        %dma_wait3A_24 = tpu.memref_slice %arg2[%run_scoped3A_4, %dma_wait3A] : memref<2x1024xi32, #tpu.memory_space<hbm>> -> memref<1x1024xi32, #tpu.memory_space<hbm>>
        %dma_wait3A_25 = tpu.memref_squeeze %dma_wait3A_24 : memref<1x1024xi32, #tpu.memory_space<hbm>> -> memref<1024xi32, #tpu.memory_space<hbm>>
        %dma_wait3A_26 = arith.constant 0 : i32
        %dma_wait3A_27 = tpu.memref_slice %arg2[%run_scoped3A_4, %dma_wait3A_26] : memref<2x1024xi32, #tpu.memory_space<hbm>> -> memref<1x1024xi32, #tpu.memory_space<hbm>>
        %dma_wait3A_28 = tpu.memref_squeeze %dma_wait3A_27 : memref<1x1024xi32, #tpu.memory_space<hbm>> -> memref<1024xi32, #tpu.memory_space<hbm>>
        tpu.wait_dma2 semaphore(%run_scoped3A_18 : memref<!tpu.dma_semaphore, #tpu.memory_space<semaphore_mem>>) src(%dma_wait3A_28 : memref<1024xi32, #tpu.memory_space<hbm>>) dst(%arg5 : memref<1024xi32, #tpu.memory_space<vmem>>)
        tpu.yield
      }) : () -> ()
      %scan3A = arith.constant 0 : i32
      %scan3A_5 = arith.constant 0 : i32
      %scan3A_6 = arith.constant 256 : i32
      %scan3A_7 = arith.addi %scan3A_5, %scan3A_6 : i32
      %scan3A_8 = arith.constant 1 : i32
      %scan3A_9 = scf.for %scan3A_18 = %scan3A_5 to %scan3A_7 step %scan3A_8 iter_args(%scan3A_19 = %scan3A) -> (i32)  : i32 {
        %broadcast_in_dim3A = arith.constant 0.000000e+00 : f32
        %broadcast_in_dim3A_20 = vector.broadcast %broadcast_in_dim3A : f32 to vector<16xf32>
        %mul3A = arith.constant 16 : i32
        %mul3A_21 = arith.muli %scan3A_18, %mul3A : i32
        %swap3A = arith.index_cast %mul3A_21 : i32 to index
        %swap3A_22 = tpu.vector_load %arg7[%swap3A] {strides = array<i32>} : memref<4096xf32, #tpu.memory_space<vmem>>, vector<16xf32>,
        %swap3A_23 = vector.shape_cast %swap3A_22 : vector<16xf32> to vector<16xf32>
        %swap3A_24 = vector.shape_cast %broadcast_in_dim3A_20 : vector<16xf32> to vector<16xf32>
        tpu.vector_store %arg7[%swap3A], %swap3A_24 {strides = array<i32>} : memref<4096xf32, #tpu.memory_space<vmem>>, vector<16xf32>,
        %scan3A_25 = arith.constant 0 : i32
        scf.yield %scan3A_25 : i32
      }
      %scan3A_10 = arith.constant 256 : i32
      %scan3A_11 = arith.constant 0 : i32
      %scan3A_12 = arith.constant 0 : i32
      %scan3A_13 = arith.constant 64 : i32
      %scan3A_14 = arith.addi %scan3A_12, %scan3A_13 : i32
      %scan3A_15 = arith.constant 1 : i32
      %scan3A_16 = scf.for %scan3A_18 = %scan3A_12 to %scan3A_14 step %scan3A_15 iter_args(%scan3A_19 = %scan3A_11) -> (i32)  : i32 {
        %mul3A = arith.constant 16 : i32
        %mul3A_20 = arith.muli %scan3A_18, %mul3A : i32
        %get3A = arith.index_cast %mul3A_20 : i32 to index
        %get3A_21 = tpu.vector_load %arg4[%get3A] {strides = array<i32>} : memref<1024xi32, #tpu.memory_space<vmem>>, vector<16xi32>,
        %get3A_22 = vector.shape_cast %get3A_21 : vector<16xi32> to vector<16xi32>
        %mul3A_23 = arith.constant 16 : i32
        %mul3A_24 = arith.muli %scan3A_18, %mul3A_23 : i32
        %get3A_25 = arith.index_cast %mul3A_24 : i32 to index
        %get3A_26 = tpu.vector_load %arg5[%get3A_25] {strides = array<i32>} : memref<1024xi32, #tpu.memory_space<vmem>>, vector<16xi32>,
        %get3A_27 = vector.shape_cast %get3A_26 : vector<16xi32> to vector<16xi32>
        %mul3A_28 = arith.constant 64 : i32
        %mul3A_29 = vector.broadcast %mul3A_28 : i32 to vector<16xi32>
        %mul3A_30 = arith.muli %get3A_27, %mul3A_29 : vector<16xi32>
        %add3A = arith.addi %mul3A_30, %get3A_22 : vector<16xi32>
        %mul3A_31 = arith.constant 16 : i32
        %mul3A_32 = arith.muli %scan3A_18, %mul3A_31 : i32
        %swap3A = arith.index_cast %mul3A_32 : i32 to index
        %swap3A_33 = tpu.vector_load %arg5[%swap3A] {strides = array<i32>} : memref<1024xi32, #tpu.memory_space<vmem>>, vector<16xi32>,
        %swap3A_34 = vector.shape_cast %swap3A_33 : vector<16xi32> to vector<16xi32>
        %swap3A_35 = vector.shape_cast %add3A : vector<16xi32> to vector<16xi32>
        tpu.vector_store %arg5[%swap3A], %swap3A_35 {strides = array<i32>} : memref<1024xi32, #tpu.memory_space<vmem>>, vector<16xi32>,
        %broadcast_in_dim3A = arith.constant 1.000000e+00 : f32
        %broadcast_in_dim3A_36 = vector.broadcast %broadcast_in_dim3A : f32 to vector<16xf32>
        %mul3A_37 = arith.constant 16 : i32
        %mul3A_38 = arith.muli %scan3A_18, %mul3A_37 : i32
        %swap3A_39 = arith.index_cast %mul3A_38 : i32 to index
        %swap3A_40 = tpu.vector_load %arg6[%swap3A_39] {strides = array<i32>} : memref<1024xf32, #tpu.memory_space<vmem>>, vector<16xf32>,
        %swap3A_41 = vector.shape_cast %swap3A_40 : vector<16xf32> to vector<16xf32>
        %swap3A_42 = vector.shape_cast %broadcast_in_dim3A_36 : vector<16xf32> to vector<16xf32>
        tpu.vector_store %arg6[%swap3A_39], %swap3A_42 {strides = array<i32>} : memref<1024xf32, #tpu.memory_space<vmem>>, vector<16xf32>,
        %scan3A_43 = arith.constant 0 : i32
        scf.yield %scan3A_43 : i32
      }
      %scan3A_17 = arith.constant 64 : i32
      "tpu.region"() ({
        %run_scoped3A_18 = tpu.sem_alloc : memref<!tpu.dma_semaphore, #tpu.memory_space<semaphore_mem>>
        tpu.enqueue_dma source(%arg7 : memref<4096xf32, #tpu.memory_space<vmem>>) target(%arg8 : memref<4096xf32, #tpu.memory_space<vmem_shared>>) target_semaphore(%run_scoped3A_18 : memref<!tpu.dma_semaphore, #tpu.memory_space<semaphore_mem>>)
        tpu.wait_dma2 semaphore(%run_scoped3A_18 : memref<!tpu.dma_semaphore, #tpu.memory_space<semaphore_mem>>) src(%arg7 : memref<4096xf32, #tpu.memory_space<vmem>>) dst(%arg8 : memref<4096xf32, #tpu.memory_space<vmem_shared>>)
        tpu.yield
      }) : () -> ()
      "tpu.region"() ({
        %run_scoped3A_18 = tpu.sem_alloc : memref<!tpu.dma_semaphore, #tpu.memory_space<semaphore_mem>>
        %dma_start3A = arith.constant 0 : i32
        %dma_start3A_19 = tpu.memref_slice %arg8[%dma_start3A] : memref<4096xf32, #tpu.memory_space<vmem_shared>> -> memref<4096xf32, #tpu.memory_space<vmem_shared>>
        tpu.enqueue_indirect_dma source(%arg6 : memref<1024xf32, #tpu.memory_space<vmem>>) target(%dma_start3A_19 : memref<4096xf32, #tpu.memory_space<vmem_shared>>) offsets(%arg5 : memref<1024xi32, #tpu.memory_space<vmem>>) semaphore(%run_scoped3A_18 : memref<!tpu.dma_semaphore, #tpu.memory_space<semaphore_mem>>) {add = true}
        %dma_wait3A = arith.constant 0 : i32
        %dma_wait3A_20 = tpu.memref_slice %arg8[%dma_wait3A] : memref<4096xf32, #tpu.memory_space<vmem_shared>> -> memref<4096xf32, #tpu.memory_space<vmem_shared>>
        tpu.wait_indirect_dma semaphore(%run_scoped3A_18 : memref<!tpu.dma_semaphore, #tpu.memory_space<semaphore_mem>>) src(%arg6 : memref<1024xf32, #tpu.memory_space<vmem>>) dst(%dma_wait3A_20 : memref<4096xf32, #tpu.memory_space<vmem_shared>>)
        tpu.yield
      }) : () -> ()
      "tpu.region"() ({
        %run_scoped3A_18 = tpu.sem_alloc : memref<!tpu.dma_semaphore, #tpu.memory_space<semaphore_mem>>
        tpu.enqueue_dma source(%arg8 : memref<4096xf32, #tpu.memory_space<vmem_shared>>) target(%arg3 : memref<4096xf32, #tpu.memory_space<hbm>>) target_semaphore(%run_scoped3A_18 : memref<!tpu.dma_semaphore, #tpu.memory_space<semaphore_mem>>)
        tpu.wait_dma2 semaphore(%run_scoped3A_18 : memref<!tpu.dma_semaphore, #tpu.memory_space<semaphore_mem>>) src(%arg8 : memref<4096xf32, #tpu.memory_space<vmem_shared>>) dst(%arg3 : memref<4096xf32, #tpu.memory_space<hbm>>)
        tpu.yield
      }) : () -> ()
    } else {
    }
    return
  }
}

module attributes {stable_mosaic.version = 14 : i64} {
  func.func @_k2_body(%arg0: i32, %arg1: memref<128x64x128xf32, #tpu.memory_space<vmem>>, %arg2: memref<4096xf32, #tpu.memory_space<vmem>>, %arg3: memref<128x128xf32, #tpu.memory_space<vmem>>, %arg4: memref<128x128xf32, #tpu.memory_space<vmem>>, %arg5: memref<1x16384xf32, #tpu.memory_space<vmem>>, %arg6: memref<128xf32, #tpu.memory_space<vmem>>, %arg7: memref<8192x256xf32, #tpu.memory_space<vmem>>, %arg8: memref<256xf32, #tpu.memory_space<vmem>>, %arg9: memref<256x128xf32, #tpu.memory_space<vmem>>, %arg10: memref<128xf32, #tpu.memory_space<vmem>>, %arg11: memref<128x64xf32, #tpu.memory_space<vmem>>, %arg12: memref<64xf32, #tpu.memory_space<vmem>>, %arg13: memref<128x64xf32, #tpu.memory_space<vmem>>, %arg14: memref<64xf32, #tpu.memory_space<vmem>>, %arg15: memref<128x64xf32, #tpu.memory_space<vmem>>, %arg16: memref<128x64xf32, #tpu.memory_space<vmem>>) attributes {dimension_semantics = [#tpu.dimension_semantics<arbitrary>], iteration_bounds = array<i64: 2>, scalar_prefetch = 0 : i64, scratch_operands = 0 : i64, tpu.core_type = #tpu.core_type<tc>, window_params = [{transform_indices = @transform_0, window_bounds = array<i64: 128, 64, 128>}, {pipeline_mode = #tpu.pipeline_mode<synchronous>, transform_indices = @transform_1, window_bounds = array<i64: 4096>}, {pipeline_mode = #tpu.pipeline_mode<synchronous>, transform_indices = @transform_2, window_bounds = array<i64: 128, 128>}, {pipeline_mode = #tpu.pipeline_mode<synchronous>, transform_indices = @transform_3, window_bounds = array<i64: 128, 128>}, {pipeline_mode = #tpu.pipeline_mode<synchronous>, transform_indices = @transform_4, window_bounds = array<i64: 1, 16384>}, {pipeline_mode = #tpu.pipeline_mode<synchronous>, transform_indices = @transform_5, window_bounds = array<i64: 128>}, {pipeline_mode = #tpu.pipeline_mode<synchronous>, transform_indices = @transform_6, window_bounds = array<i64: 8192, 256>}, {pipeline_mode = #tpu.pipeline_mode<synchronous>, transform_indices = @transform_7, window_bounds = array<i64: 256>}, {pipeline_mode = #tpu.pipeline_mode<synchronous>, transform_indices = @transform_8, window_bounds = array<i64: 256, 128>}, {pipeline_mode = #tpu.pipeline_mode<synchronous>, transform_indices = @transform_9, window_bounds = array<i64: 128>}, {pipeline_mode = #tpu.pipeline_mode<synchronous>, transform_indices = @transform_10, window_bounds = array<i64: 128, 64>}, {pipeline_mode = #tpu.pipeline_mode<synchronous>, transform_indices = @transform_11, window_bounds = array<i64: 64>}, {pipeline_mode = #tpu.pipeline_mode<synchronous>, transform_indices = @transform_12, window_bounds = array<i64: 128, 64>}, {pipeline_mode = #tpu.pipeline_mode<synchronous>, transform_indices = @transform_13, window_bounds = array<i64: 64>}, {transform_indices = @transform_14, window_bounds = array<i64: 128, 64>}, {transform_indices = @transform_15, window_bounds = array<i64: 128, 64>}]} {
    %get3A = arith.constant 0 : index
    %get3A_0 = vector.load %arg2[%get3A] : memref<4096xf32, #tpu.memory_space<vmem>>, vector<4096xf32>
    %slice3A = vector.extract_strided_slice %get3A_0 {offsets = [0], sizes = [64], strides = [1]} : vector<4096xf32> to vector<64xf32>
    %broadcast_in_dim3A = vector.shape_cast %slice3A : vector<64xf32> to vector<1x64xf32>
    %slice3A_1 = vector.extract_strided_slice %get3A_0 {offsets = [64], sizes = [64], strides = [1]} : vector<4096xf32> to vector<64xf32>
    %broadcast_in_dim3A_2 = vector.shape_cast %slice3A_1 : vector<64xf32> to vector<1x64xf32>
    %slice3A_3 = vector.extract_strided_slice %get3A_0 {offsets = [128], sizes = [64], strides = [1]} : vector<4096xf32> to vector<64xf32>
    %broadcast_in_dim3A_4 = vector.shape_cast %slice3A_3 : vector<64xf32> to vector<1x64xf32>
    %slice3A_5 = vector.extract_strided_slice %get3A_0 {offsets = [192], sizes = [64], strides = [1]} : vector<4096xf32> to vector<64xf32>
    %broadcast_in_dim3A_6 = vector.shape_cast %slice3A_5 : vector<64xf32> to vector<1x64xf32>
    %slice3A_7 = vector.extract_strided_slice %get3A_0 {offsets = [256], sizes = [64], strides = [1]} : vector<4096xf32> to vector<64xf32>
    %broadcast_in_dim3A_8 = vector.shape_cast %slice3A_7 : vector<64xf32> to vector<1x64xf32>
    %slice3A_9 = vector.extract_strided_slice %get3A_0 {offsets = [320], sizes = [64], strides = [1]} : vector<4096xf32> to vector<64xf32>
    %broadcast_in_dim3A_10 = vector.shape_cast %slice3A_9 : vector<64xf32> to vector<1x64xf32>
    %slice3A_11 = vector.extract_strided_slice %get3A_0 {offsets = [384], sizes = [64], strides = [1]} : vector<4096xf32> to vector<64xf32>
    %broadcast_in_dim3A_12 = vector.shape_cast %slice3A_11 : vector<64xf32> to vector<1x64xf32>
    %slice3A_13 = vector.extract_strided_slice %get3A_0 {offsets = [448], sizes = [64], strides = [1]} : vector<4096xf32> to vector<64xf32>
    %broadcast_in_dim3A_14 = vector.shape_cast %slice3A_13 : vector<64xf32> to vector<1x64xf32>
    %slice3A_15 = vector.extract_strided_slice %get3A_0 {offsets = [512], sizes = [64], strides = [1]} : vector<4096xf32> to vector<64xf32>
    %broadcast_in_dim3A_16 = vector.shape_cast %slice3A_15 : vector<64xf32> to vector<1x64xf32>
    %slice3A_17 = vector.extract_strided_slice %get3A_0 {offsets = [576], sizes = [64], strides = [1]} : vector<4096xf32> to vector<64xf32>
    %broadcast_in_dim3A_18 = vector.shape_cast %slice3A_17 : vector<64xf32> to vector<1x64xf32>
    %slice3A_19 = vector.extract_strided_slice %get3A_0 {offsets = [640], sizes = [64], strides = [1]} : vector<4096xf32> to vector<64xf32>
    %broadcast_in_dim3A_20 = vector.shape_cast %slice3A_19 : vector<64xf32> to vector<1x64xf32>
    %slice3A_21 = vector.extract_strided_slice %get3A_0 {offsets = [704], sizes = [64], strides = [1]} : vector<4096xf32> to vector<64xf32>
    %broadcast_in_dim3A_22 = vector.shape_cast %slice3A_21 : vector<64xf32> to vector<1x64xf32>
    %slice3A_23 = vector.extract_strided_slice %get3A_0 {offsets = [768], sizes = [64], strides = [1]} : vector<4096xf32> to vector<64xf32>
    %broadcast_in_dim3A_24 = vector.shape_cast %slice3A_23 : vector<64xf32> to vector<1x64xf32>
    %slice3A_25 = vector.extract_strided_slice %get3A_0 {offsets = [832], sizes = [64], strides = [1]} : vector<4096xf32> to vector<64xf32>
    %broadcast_in_dim3A_26 = vector.shape_cast %slice3A_25 : vector<64xf32> to vector<1x64xf32>
    %slice3A_27 = vector.extract_strided_slice %get3A_0 {offsets = [896], sizes = [64], strides = [1]} : vector<4096xf32> to vector<64xf32>
    %broadcast_in_dim3A_28 = vector.shape_cast %slice3A_27 : vector<64xf32> to vector<1x64xf32>
    %slice3A_29 = vector.extract_strided_slice %get3A_0 {offsets = [960], sizes = [64], strides = [1]} : vector<4096xf32> to vector<64xf32>
    %broadcast_in_dim3A_30 = vector.shape_cast %slice3A_29 : vector<64xf32> to vector<1x64xf32>
    %slice3A_31 = vector.extract_strided_slice %get3A_0 {offsets = [1024], sizes = [64], strides = [1]} : vector<4096xf32> to vector<64xf32>
    %broadcast_in_dim3A_32 = vector.shape_cast %slice3A_31 : vector<64xf32> to vector<1x64xf32>
    %slice3A_33 = vector.extract_strided_slice %get3A_0 {offsets = [1088], sizes = [64], strides = [1]} : vector<4096xf32> to vector<64xf32>
    %broadcast_in_dim3A_34 = vector.shape_cast %slice3A_33 : vector<64xf32> to vector<1x64xf32>
    %slice3A_35 = vector.extract_strided_slice %get3A_0 {offsets = [1152], sizes = [64], strides = [1]} : vector<4096xf32> to vector<64xf32>
    %broadcast_in_dim3A_36 = vector.shape_cast %slice3A_35 : vector<64xf32> to vector<1x64xf32>
    %slice3A_37 = vector.extract_strided_slice %get3A_0 {offsets = [1216], sizes = [64], strides = [1]} : vector<4096xf32> to vector<64xf32>
    %broadcast_in_dim3A_38 = vector.shape_cast %slice3A_37 : vector<64xf32> to vector<1x64xf32>
    %slice3A_39 = vector.extract_strided_slice %get3A_0 {offsets = [1280], sizes = [64], strides = [1]} : vector<4096xf32> to vector<64xf32>
    %broadcast_in_dim3A_40 = vector.shape_cast %slice3A_39 : vector<64xf32> to vector<1x64xf32>
    %slice3A_41 = vector.extract_strided_slice %get3A_0 {offsets = [1344], sizes = [64], strides = [1]} : vector<4096xf32> to vector<64xf32>
    %broadcast_in_dim3A_42 = vector.shape_cast %slice3A_41 : vector<64xf32> to vector<1x64xf32>
    %slice3A_43 = vector.extract_strided_slice %get3A_0 {offsets = [1408], sizes = [64], strides = [1]} : vector<4096xf32> to vector<64xf32>
    %broadcast_in_dim3A_44 = vector.shape_cast %slice3A_43 : vector<64xf32> to vector<1x64xf32>
    %slice3A_45 = vector.extract_strided_slice %get3A_0 {offsets = [1472], sizes = [64], strides = [1]} : vector<4096xf32> to vector<64xf32>
    %broadcast_in_dim3A_46 = vector.shape_cast %slice3A_45 : vector<64xf32> to vector<1x64xf32>
    %slice3A_47 = vector.extract_strided_slice %get3A_0 {offsets = [1536], sizes = [64], strides = [1]} : vector<4096xf32> to vector<64xf32>
    %broadcast_in_dim3A_48 = vector.shape_cast %slice3A_47 : vector<64xf32> to vector<1x64xf32>
    %slice3A_49 = vector.extract_strided_slice %get3A_0 {offsets = [1600], sizes = [64], strides = [1]} : vector<4096xf32> to vector<64xf32>
    %broadcast_in_dim3A_50 = vector.shape_cast %slice3A_49 : vector<64xf32> to vector<1x64xf32>
    %slice3A_51 = vector.extract_strided_slice %get3A_0 {offsets = [1664], sizes = [64], strides = [1]} : vector<4096xf32> to vector<64xf32>
    %broadcast_in_dim3A_52 = vector.shape_cast %slice3A_51 : vector<64xf32> to vector<1x64xf32>
    %slice3A_53 = vector.extract_strided_slice %get3A_0 {offsets = [1728], sizes = [64], strides = [1]} : vector<4096xf32> to vector<64xf32>
    %broadcast_in_dim3A_54 = vector.shape_cast %slice3A_53 : vector<64xf32> to vector<1x64xf32>
    %slice3A_55 = vector.extract_strided_slice %get3A_0 {offsets = [1792], sizes = [64], strides = [1]} : vector<4096xf32> to vector<64xf32>
    %broadcast_in_dim3A_56 = vector.shape_cast %slice3A_55 : vector<64xf32> to vector<1x64xf32>
    %slice3A_57 = vector.extract_strided_slice %get3A_0 {offsets = [1856], sizes = [64], strides = [1]} : vector<4096xf32> to vector<64xf32>
    %broadcast_in_dim3A_58 = vector.shape_cast %slice3A_57 : vector<64xf32> to vector<1x64xf32>
    %slice3A_59 = vector.extract_strided_slice %get3A_0 {offsets = [1920], sizes = [64], strides = [1]} : vector<4096xf32> to vector<64xf32>
    %broadcast_in_dim3A_60 = vector.shape_cast %slice3A_59 : vector<64xf32> to vector<1x64xf32>
    %slice3A_61 = vector.extract_strided_slice %get3A_0 {offsets = [1984], sizes = [64], strides = [1]} : vector<4096xf32> to vector<64xf32>
    %broadcast_in_dim3A_62 = vector.shape_cast %slice3A_61 : vector<64xf32> to vector<1x64xf32>
    %slice3A_63 = vector.extract_strided_slice %get3A_0 {offsets = [2048], sizes = [64], strides = [1]} : vector<4096xf32> to vector<64xf32>
    %broadcast_in_dim3A_64 = vector.shape_cast %slice3A_63 : vector<64xf32> to vector<1x64xf32>
    %slice3A_65 = vector.extract_strided_slice %get3A_0 {offsets = [2112], sizes = [64], strides = [1]} : vector<4096xf32> to vector<64xf32>
    %broadcast_in_dim3A_66 = vector.shape_cast %slice3A_65 : vector<64xf32> to vector<1x64xf32>
    %slice3A_67 = vector.extract_strided_slice %get3A_0 {offsets = [2176], sizes = [64], strides = [1]} : vector<4096xf32> to vector<64xf32>
    %broadcast_in_dim3A_68 = vector.shape_cast %slice3A_67 : vector<64xf32> to vector<1x64xf32>
    %slice3A_69 = vector.extract_strided_slice %get3A_0 {offsets = [2240], sizes = [64], strides = [1]} : vector<4096xf32> to vector<64xf32>
    %broadcast_in_dim3A_70 = vector.shape_cast %slice3A_69 : vector<64xf32> to vector<1x64xf32>
    %slice3A_71 = vector.extract_strided_slice %get3A_0 {offsets = [2304], sizes = [64], strides = [1]} : vector<4096xf32> to vector<64xf32>
    %broadcast_in_dim3A_72 = vector.shape_cast %slice3A_71 : vector<64xf32> to vector<1x64xf32>
    %slice3A_73 = vector.extract_strided_slice %get3A_0 {offsets = [2368], sizes = [64], strides = [1]} : vector<4096xf32> to vector<64xf32>
    %broadcast_in_dim3A_74 = vector.shape_cast %slice3A_73 : vector<64xf32> to vector<1x64xf32>
    %slice3A_75 = vector.extract_strided_slice %get3A_0 {offsets = [2432], sizes = [64], strides = [1]} : vector<4096xf32> to vector<64xf32>
    %broadcast_in_dim3A_76 = vector.shape_cast %slice3A_75 : vector<64xf32> to vector<1x64xf32>
    %slice3A_77 = vector.extract_strided_slice %get3A_0 {offsets = [2496], sizes = [64], strides = [1]} : vector<4096xf32> to vector<64xf32>
    %broadcast_in_dim3A_78 = vector.shape_cast %slice3A_77 : vector<64xf32> to vector<1x64xf32>
    %slice3A_79 = vector.extract_strided_slice %get3A_0 {offsets = [2560], sizes = [64], strides = [1]} : vector<4096xf32> to vector<64xf32>
    %broadcast_in_dim3A_80 = vector.shape_cast %slice3A_79 : vector<64xf32> to vector<1x64xf32>
    %slice3A_81 = vector.extract_strided_slice %get3A_0 {offsets = [2624], sizes = [64], strides = [1]} : vector<4096xf32> to vector<64xf32>
    %broadcast_in_dim3A_82 = vector.shape_cast %slice3A_81 : vector<64xf32> to vector<1x64xf32>
    %slice3A_83 = vector.extract_strided_slice %get3A_0 {offsets = [2688], sizes = [64], strides = [1]} : vector<4096xf32> to vector<64xf32>
    %broadcast_in_dim3A_84 = vector.shape_cast %slice3A_83 : vector<64xf32> to vector<1x64xf32>
    %slice3A_85 = vector.extract_strided_slice %get3A_0 {offsets = [2752], sizes = [64], strides = [1]} : vector<4096xf32> to vector<64xf32>
    %broadcast_in_dim3A_86 = vector.shape_cast %slice3A_85 : vector<64xf32> to vector<1x64xf32>
    %slice3A_87 = vector.extract_strided_slice %get3A_0 {offsets = [2816], sizes = [64], strides = [1]} : vector<4096xf32> to vector<64xf32>
    %broadcast_in_dim3A_88 = vector.shape_cast %slice3A_87 : vector<64xf32> to vector<1x64xf32>
    %slice3A_89 = vector.extract_strided_slice %get3A_0 {offsets = [2880], sizes = [64], strides = [1]} : vector<4096xf32> to vector<64xf32>
    %broadcast_in_dim3A_90 = vector.shape_cast %slice3A_89 : vector<64xf32> to vector<1x64xf32>
    %slice3A_91 = vector.extract_strided_slice %get3A_0 {offsets = [2944], sizes = [64], strides = [1]} : vector<4096xf32> to vector<64xf32>
    %broadcast_in_dim3A_92 = vector.shape_cast %slice3A_91 : vector<64xf32> to vector<1x64xf32>
    %slice3A_93 = vector.extract_strided_slice %get3A_0 {offsets = [3008], sizes = [64], strides = [1]} : vector<4096xf32> to vector<64xf32>
    %broadcast_in_dim3A_94 = vector.shape_cast %slice3A_93 : vector<64xf32> to vector<1x64xf32>
    %slice3A_95 = vector.extract_strided_slice %get3A_0 {offsets = [3072], sizes = [64], strides = [1]} : vector<4096xf32> to vector<64xf32>
    %broadcast_in_dim3A_96 = vector.shape_cast %slice3A_95 : vector<64xf32> to vector<1x64xf32>
    %slice3A_97 = vector.extract_strided_slice %get3A_0 {offsets = [3136], sizes = [64], strides = [1]} : vector<4096xf32> to vector<64xf32>
    %broadcast_in_dim3A_98 = vector.shape_cast %slice3A_97 : vector<64xf32> to vector<1x64xf32>
    %slice3A_99 = vector.extract_strided_slice %get3A_0 {offsets = [3200], sizes = [64], strides = [1]} : vector<4096xf32> to vector<64xf32>
    %broadcast_in_dim3A_100 = vector.shape_cast %slice3A_99 : vector<64xf32> to vector<1x64xf32>
    %slice3A_101 = vector.extract_strided_slice %get3A_0 {offsets = [3264], sizes = [64], strides = [1]} : vector<4096xf32> to vector<64xf32>
    %broadcast_in_dim3A_102 = vector.shape_cast %slice3A_101 : vector<64xf32> to vector<1x64xf32>
    %slice3A_103 = vector.extract_strided_slice %get3A_0 {offsets = [3328], sizes = [64], strides = [1]} : vector<4096xf32> to vector<64xf32>
    %broadcast_in_dim3A_104 = vector.shape_cast %slice3A_103 : vector<64xf32> to vector<1x64xf32>
    %slice3A_105 = vector.extract_strided_slice %get3A_0 {offsets = [3392], sizes = [64], strides = [1]} : vector<4096xf32> to vector<64xf32>
    %broadcast_in_dim3A_106 = vector.shape_cast %slice3A_105 : vector<64xf32> to vector<1x64xf32>
    %slice3A_107 = vector.extract_strided_slice %get3A_0 {offsets = [3456], sizes = [64], strides = [1]} : vector<4096xf32> to vector<64xf32>
    %broadcast_in_dim3A_108 = vector.shape_cast %slice3A_107 : vector<64xf32> to vector<1x64xf32>
    %slice3A_109 = vector.extract_strided_slice %get3A_0 {offsets = [3520], sizes = [64], strides = [1]} : vector<4096xf32> to vector<64xf32>
    %broadcast_in_dim3A_110 = vector.shape_cast %slice3A_109 : vector<64xf32> to vector<1x64xf32>
    %slice3A_111 = vector.extract_strided_slice %get3A_0 {offsets = [3584], sizes = [64], strides = [1]} : vector<4096xf32> to vector<64xf32>
    %broadcast_in_dim3A_112 = vector.shape_cast %slice3A_111 : vector<64xf32> to vector<1x64xf32>
    %slice3A_113 = vector.extract_strided_slice %get3A_0 {offsets = [3648], sizes = [64], strides = [1]} : vector<4096xf32> to vector<64xf32>
    %broadcast_in_dim3A_114 = vector.shape_cast %slice3A_113 : vector<64xf32> to vector<1x64xf32>
    %slice3A_115 = vector.extract_strided_slice %get3A_0 {offsets = [3712], sizes = [64], strides = [1]} : vector<4096xf32> to vector<64xf32>
    %broadcast_in_dim3A_116 = vector.shape_cast %slice3A_115 : vector<64xf32> to vector<1x64xf32>
    %slice3A_117 = vector.extract_strided_slice %get3A_0 {offsets = [3776], sizes = [64], strides = [1]} : vector<4096xf32> to vector<64xf32>
    %broadcast_in_dim3A_118 = vector.shape_cast %slice3A_117 : vector<64xf32> to vector<1x64xf32>
    %slice3A_119 = vector.extract_strided_slice %get3A_0 {offsets = [3840], sizes = [64], strides = [1]} : vector<4096xf32> to vector<64xf32>
    %broadcast_in_dim3A_120 = vector.shape_cast %slice3A_119 : vector<64xf32> to vector<1x64xf32>
    %slice3A_121 = vector.extract_strided_slice %get3A_0 {offsets = [3904], sizes = [64], strides = [1]} : vector<4096xf32> to vector<64xf32>
    %broadcast_in_dim3A_122 = vector.shape_cast %slice3A_121 : vector<64xf32> to vector<1x64xf32>
    %slice3A_123 = vector.extract_strided_slice %get3A_0 {offsets = [3968], sizes = [64], strides = [1]} : vector<4096xf32> to vector<64xf32>
    %broadcast_in_dim3A_124 = vector.shape_cast %slice3A_123 : vector<64xf32> to vector<1x64xf32>
    %slice3A_125 = vector.extract_strided_slice %get3A_0 {offsets = [4032], sizes = [64], strides = [1]} : vector<4096xf32> to vector<64xf32>
    %broadcast_in_dim3A_126 = vector.shape_cast %slice3A_125 : vector<64xf32> to vector<1x64xf32>
    %concatenate3A = tpu.concatenate %broadcast_in_dim3A, %broadcast_in_dim3A_2, %broadcast_in_dim3A_4, %broadcast_in_dim3A_6, %broadcast_in_dim3A_8, %broadcast_in_dim3A_10, %broadcast_in_dim3A_12, %broadcast_in_dim3A_14, %broadcast_in_dim3A_16, %broadcast_in_dim3A_18, %broadcast_in_dim3A_20, %broadcast_in_dim3A_22, %broadcast_in_dim3A_24, %broadcast_in_dim3A_26, %broadcast_in_dim3A_28, %broadcast_in_dim3A_30, %broadcast_in_dim3A_32, %broadcast_in_dim3A_34, %broadcast_in_dim3A_36, %broadcast_in_dim3A_38, %broadcast_in_dim3A_40, %broadcast_in_dim3A_42, %broadcast_in_dim3A_44, %broadcast_in_dim3A_46, %broadcast_in_dim3A_48, %broadcast_in_dim3A_50, %broadcast_in_dim3A_52, %broadcast_in_dim3A_54, %broadcast_in_dim3A_56, %broadcast_in_dim3A_58, %broadcast_in_dim3A_60, %broadcast_in_dim3A_62, %broadcast_in_dim3A_64, %broadcast_in_dim3A_66, %broadcast_in_dim3A_68, %broadcast_in_dim3A_70, %broadcast_in_dim3A_72, %broadcast_in_dim3A_74, %broadcast_in_dim3A_76, %broadcast_in_dim3A_78, %broadcast_in_dim3A_80, %broadcast_in_dim3A_82, %broadcast_in_dim3A_84, %broadcast_in_dim3A_86, %broadcast_in_dim3A_88, %broadcast_in_dim3A_90, %broadcast_in_dim3A_92, %broadcast_in_dim3A_94, %broadcast_in_dim3A_96, %broadcast_in_dim3A_98, %broadcast_in_dim3A_100, %broadcast_in_dim3A_102, %broadcast_in_dim3A_104, %broadcast_in_dim3A_106, %broadcast_in_dim3A_108, %broadcast_in_dim3A_110, %broadcast_in_dim3A_112, %broadcast_in_dim3A_114, %broadcast_in_dim3A_116, %broadcast_in_dim3A_118, %broadcast_in_dim3A_120, %broadcast_in_dim3A_122, %broadcast_in_dim3A_124, %broadcast_in_dim3A_126 in 0 : vector<1x64xf32>, vector<1x64xf32>, vector<1x64xf32>, vector<1x64xf32>, vector<1x64xf32>, vector<1x64xf32>, vector<1x64xf32>, vector<1x64xf32>, vector<1x64xf32>, vector<1x64xf32>, vector<1x64xf32>, vector<1x64xf32>, vector<1x64xf32>, vector<1x64xf32>, vector<1x64xf32>, vector<1x64xf32>, vector<1x64xf32>, vector<1x64xf32>, vector<1x64xf32>, vector<1x64xf32>, vector<1x64xf32>, vector<1x64xf32>, vector<1x64xf32>, vector<1x64xf32>, vector<1x64xf32>, vector<1x64xf32>, vector<1x64xf32>, vector<1x64xf32>, vector<1x64xf32>, vector<1x64xf32>, vector<1x64xf32>, vector<1x64xf32>, vector<1x64xf32>, vector<1x64xf32>, vector<1x64xf32>, vector<1x64xf32>, vector<1x64xf32>, vector<1x64xf32>, vector<1x64xf32>, vector<1x64xf32>, vector<1x64xf32>, vector<1x64xf32>, vector<1x64xf32>, vector<1x64xf32>, vector<1x64xf32>, vector<1x64xf32>, vector<1x64xf32>, vector<1x64xf32>, vector<1x64xf32>, vector<1x64xf32>, vector<1x64xf32>, vector<1x64xf32>, vector<1x64xf32>, vector<1x64xf32>, vector<1x64xf32>, vector<1x64xf32>, vector<1x64xf32>, vector<1x64xf32>, vector<1x64xf32>, vector<1x64xf32>, vector<1x64xf32>, vector<1x64xf32>, vector<1x64xf32>, vector<1x64xf32> -> vector<64x64xf32>
    %iota3A = tpu.iota {dimensions = array<i32: 0>} : vector<64x64xi32>
    %iota3A_127 = tpu.iota {dimensions = array<i32: 1>} : vector<64x64xi32>
    %eq3A = arith.cmpi eq, %iota3A, %iota3A_127 : vector<64x64xi32>
    %convert_element_type3A = arith.extui %eq3A : vector<64x64xi1> to vector<64x64xi32>
    %convert_element_type3A_128 = arith.sitofp %convert_element_type3A : vector<64x64xi32> to vector<64x64xf32>
    %add3A = arith.addf %concatenate3A, %convert_element_type3A_128 : vector<64x64xf32>
    %reduce_sum3A = arith.constant dense<0.000000e+00> : vector<64xf32>
    %reduce_sum3A_129 = vector.multi_reduction <add>, %add3A, %reduce_sum3A [1] : vector<64x64xf32> to vector<64xf32>
    %rsqrt3A = math.rsqrt %reduce_sum3A_129 : vector<64xf32>
    %broadcast_in_dim3A_130 = vector.shape_cast %rsqrt3A : vector<64xf32> to vector<64x1xf32>
    %mul3A = vector.broadcast %broadcast_in_dim3A_130 : vector<64x1xf32> to vector<64x64xf32>
    %mul3A_131 = arith.mulf %add3A, %mul3A : vector<64x64xf32>
    %broadcast_in_dim3A_132 = vector.shape_cast %rsqrt3A : vector<64xf32> to vector<1x64xf32>
    %mul3A_133 = vector.broadcast %broadcast_in_dim3A_132 : vector<1x64xf32> to vector<64x64xf32>
    %mul3A_134 = arith.mulf %mul3A_131, %mul3A_133 : vector<64x64xf32>
    %get3A_135 = arith.constant 0 : index
    %get3A_136 = arith.constant 0 : index
    %get3A_137 = arith.constant 0 : index
    %get3A_138 = vector.load %arg1[%get3A_135, %get3A_136, %get3A_137] : memref<128x64x128xf32, #tpu.memory_space<vmem>>, vector<128x64x128xf32>
    %reshape3A = vector.shape_cast %get3A_138 : vector<128x64x128xf32> to vector<8192x128xf32>
    %get3A_139 = arith.constant 0 : index
    %get3A_140 = arith.constant 0 : index
    %get3A_141 = vector.load %arg3[%get3A_139, %get3A_140] : memref<128x128xf32, #tpu.memory_space<vmem>>, vector<128x128xf32>
    %dot_general3A = arith.constant dense<0.000000e+00> : vector<8192x128xf32>
    %dot_general3A_142 = tpu.matmul %reshape3A, %get3A_141, %dot_general3A {dimension_numbers = #tpu.dot_dimension_numbers<[1], [0], [0], [1], [0, 0, 1, 1], [], []>, transpose_lhs_hint = false} : vector<8192x128xf32>, vector<128x128xf32>, vector<8192x128xf32> -> vector<8192x128xf32>
    %reshape3A_143 = vector.shape_cast %dot_general3A_142 : vector<8192x128xf32> to vector<128x64x128xf32>
    %transpose3A = tpu.transpose %reshape3A_143, [1, 0, 2] : vector<128x64x128xf32> -> vector<64x128x128xf32>
    %reshape3A_144 = vector.shape_cast %transpose3A : vector<64x128x128xf32> to vector<64x16384xf32>
    %dot_general3A_145 = arith.constant dense<0.000000e+00> : vector<64x16384xf32>
    %dot_general3A_146 = tpu.matmul %mul3A_134, %reshape3A_144, %dot_general3A_145 {dimension_numbers = #tpu.dot_dimension_numbers<[1], [0], [0], [1], [0, 0, 1, 1], [], []>, transpose_lhs_hint = false} : vector<64x64xf32>, vector<64x16384xf32>, vector<64x16384xf32> -> vector<64x16384xf32>
    %get3A_147 = arith.constant 0 : index
    %get3A_148 = arith.constant 0 : index
    %get3A_149 = vector.load %arg5[%get3A_147, %get3A_148] : memref<1x16384xf32, #tpu.memory_space<vmem>>, vector<1x16384xf32>
    %add3A_150 = vector.broadcast %get3A_149 : vector<1x16384xf32> to vector<64x16384xf32>
    %add3A_151 = arith.addf %dot_general3A_146, %add3A_150 : vector<64x16384xf32>
    %max3A = arith.constant 0.000000e+00 : f32
    %max3A_152 = vector.broadcast %max3A : f32 to vector<64x16384xf32>
    %max3A_153 = arith.maximumf %add3A_151, %max3A_152 : vector<64x16384xf32>
    %dot_general3A_154 = arith.constant dense<0.000000e+00> : vector<64x16384xf32>
    %dot_general3A_155 = tpu.matmul %mul3A_134, %max3A_153, %dot_general3A_154 {dimension_numbers = #tpu.dot_dimension_numbers<[1], [0], [0], [1], [0, 0, 1, 1], [], []>, transpose_lhs_hint = false} : vector<64x64xf32>, vector<64x16384xf32>, vector<64x16384xf32> -> vector<64x16384xf32>
    %reshape3A_156 = vector.shape_cast %dot_general3A_155 : vector<64x16384xf32> to vector<8192x128xf32>
    %get3A_157 = arith.constant 0 : index
    %get3A_158 = arith.constant 0 : index
    %get3A_159 = vector.load %arg4[%get3A_157, %get3A_158] : memref<128x128xf32, #tpu.memory_space<vmem>>, vector<128x128xf32>
    %dot_general3A_160 = arith.constant dense<0.000000e+00> : vector<8192x128xf32>
    %dot_general3A_161 = tpu.matmul %reshape3A_156, %get3A_159, %dot_general3A_160 {dimension_numbers = #tpu.dot_dimension_numbers<[1], [0], [0], [1], [0, 0, 1, 1], [], []>, transpose_lhs_hint = false} : vector<8192x128xf32>, vector<128x128xf32>, vector<8192x128xf32> -> vector<8192x128xf32>
    %get3A_162 = arith.constant 0 : index
    %get3A_163 = vector.load %arg6[%get3A_162] : memref<128xf32, #tpu.memory_space<vmem>>, vector<128xf32>
    %broadcast_in_dim3A_164 = vector.shape_cast %get3A_163 : vector<128xf32> to vector<1x128xf32>
    %add3A_165 = vector.broadcast %broadcast_in_dim3A_164 : vector<1x128xf32> to vector<8192x128xf32>
    %add3A_166 = arith.addf %dot_general3A_161, %add3A_165 : vector<8192x128xf32>
    %max3A_167 = arith.constant 0.000000e+00 : f32
    %max3A_168 = vector.broadcast %max3A_167 : f32 to vector<8192x128xf32>
    %max3A_169 = arith.maximumf %add3A_166, %max3A_168 : vector<8192x128xf32>
    %reshape3A_170 = vector.shape_cast %max3A_169 : vector<8192x128xf32> to vector<64x128x128xf32>
    %transpose3A_171 = tpu.transpose %reshape3A_170, [1, 0, 2] : vector<64x128x128xf32> -> vector<128x64x128xf32>
    %reshape3A_172 = vector.shape_cast %transpose3A_171 : vector<128x64x128xf32> to vector<128x8192xf32>
    %get3A_173 = arith.constant 0 : index
    %get3A_174 = arith.constant 0 : index
    %get3A_175 = vector.load %arg7[%get3A_173, %get3A_174] : memref<8192x256xf32, #tpu.memory_space<vmem>>, vector<8192x256xf32>
    %dot_general3A_176 = arith.constant dense<0.000000e+00> : vector<128x256xf32>
    %dot_general3A_177 = tpu.matmul %reshape3A_172, %get3A_175, %dot_general3A_176 {dimension_numbers = #tpu.dot_dimension_numbers<[1], [0], [0], [1], [0, 0, 1, 1], [], []>, transpose_lhs_hint = false} : vector<128x8192xf32>, vector<8192x256xf32>, vector<128x256xf32> -> vector<128x256xf32>
    %get3A_178 = arith.constant 0 : index
    %get3A_179 = vector.load %arg8[%get3A_178] : memref<256xf32, #tpu.memory_space<vmem>>, vector<256xf32>
    %broadcast_in_dim3A_180 = vector.shape_cast %get3A_179 : vector<256xf32> to vector<1x256xf32>
    %add3A_181 = vector.broadcast %broadcast_in_dim3A_180 : vector<1x256xf32> to vector<128x256xf32>
    %add3A_182 = arith.addf %dot_general3A_177, %add3A_181 : vector<128x256xf32>
    %max3A_183 = arith.constant 0.000000e+00 : f32
    %max3A_184 = vector.broadcast %max3A_183 : f32 to vector<128x256xf32>
    %max3A_185 = arith.maximumf %add3A_182, %max3A_184 : vector<128x256xf32>
    %get3A_186 = arith.constant 0 : index
    %get3A_187 = arith.constant 0 : index
    %get3A_188 = vector.load %arg9[%get3A_186, %get3A_187] : memref<256x128xf32, #tpu.memory_space<vmem>>, vector<256x128xf32>
    %dot_general3A_189 = arith.constant dense<0.000000e+00> : vector<128x128xf32>
    %dot_general3A_190 = tpu.matmul %max3A_185, %get3A_188, %dot_general3A_189 {dimension_numbers = #tpu.dot_dimension_numbers<[1], [0], [0], [1], [0, 0, 1, 1], [], []>, transpose_lhs_hint = false} : vector<128x256xf32>, vector<256x128xf32>, vector<128x128xf32> -> vector<128x128xf32>
    %get3A_191 = arith.constant 0 : index
    %get3A_192 = vector.load %arg10[%get3A_191] : memref<128xf32, #tpu.memory_space<vmem>>, vector<128xf32>
    %broadcast_in_dim3A_193 = vector.shape_cast %get3A_192 : vector<128xf32> to vector<1x128xf32>
    %add3A_194 = vector.broadcast %broadcast_in_dim3A_193 : vector<1x128xf32> to vector<128x128xf32>
    %add3A_195 = arith.addf %dot_general3A_190, %add3A_194 : vector<128x128xf32>
    %get3A_196 = arith.constant 0 : index
    %get3A_197 = arith.constant 0 : index
    %get3A_198 = vector.load %arg11[%get3A_196, %get3A_197] : memref<128x64xf32, #tpu.memory_space<vmem>>, vector<128x64xf32>
    %dot_general3A_199 = arith.constant dense<0.000000e+00> : vector<128x64xf32>
    %dot_general3A_200 = tpu.matmul %add3A_195, %get3A_198, %dot_general3A_199 {dimension_numbers = #tpu.dot_dimension_numbers<[1], [0], [0], [1], [0, 0, 1, 1], [], []>, transpose_lhs_hint = false} : vector<128x128xf32>, vector<128x64xf32>, vector<128x64xf32> -> vector<128x64xf32>
    %get3A_201 = arith.constant 0 : index
    %get3A_202 = vector.load %arg12[%get3A_201] : memref<64xf32, #tpu.memory_space<vmem>>, vector<64xf32>
    %broadcast_in_dim3A_203 = vector.shape_cast %get3A_202 : vector<64xf32> to vector<1x64xf32>
    %add3A_204 = vector.broadcast %broadcast_in_dim3A_203 : vector<1x64xf32> to vector<128x64xf32>
    %add3A_205 = arith.addf %dot_general3A_200, %add3A_204 : vector<128x64xf32>
    %swap3A = arith.constant 0 : index
    %swap3A_206 = arith.constant 0 : index
    %swap3A_207 = vector.load %arg15[%swap3A, %swap3A_206] : memref<128x64xf32, #tpu.memory_space<vmem>>, vector<128x64xf32>
    tpu.vector_store %arg15[%swap3A, %swap3A_206], %add3A_205 {strides = array<i32>} : memref<128x64xf32, #tpu.memory_space<vmem>>, vector<128x64xf32>,
    %get3A_208 = arith.constant 0 : index
    %get3A_209 = arith.constant 0 : index
    %get3A_210 = vector.load %arg13[%get3A_208, %get3A_209] : memref<128x64xf32, #tpu.memory_space<vmem>>, vector<128x64xf32>
    %dot_general3A_211 = arith.constant dense<0.000000e+00> : vector<128x64xf32>
    %dot_general3A_212 = tpu.matmul %add3A_195, %get3A_210, %dot_general3A_211 {dimension_numbers = #tpu.dot_dimension_numbers<[1], [0], [0], [1], [0, 0, 1, 1], [], []>, transpose_lhs_hint = false} : vector<128x128xf32>, vector<128x64xf32>, vector<128x64xf32> -> vector<128x64xf32>
    %get3A_213 = arith.constant 0 : index
    %get3A_214 = vector.load %arg14[%get3A_213] : memref<64xf32, #tpu.memory_space<vmem>>, vector<64xf32>
    %broadcast_in_dim3A_215 = vector.shape_cast %get3A_214 : vector<64xf32> to vector<1x64xf32>
    %add3A_216 = vector.broadcast %broadcast_in_dim3A_215 : vector<1x64xf32> to vector<128x64xf32>
    %add3A_217 = arith.addf %dot_general3A_212, %add3A_216 : vector<128x64xf32>
    %swap3A_218 = arith.constant 0 : index
    %swap3A_219 = arith.constant 0 : index
    %swap3A_220 = vector.load %arg16[%swap3A_218, %swap3A_219] : memref<128x64xf32, #tpu.memory_space<vmem>>, vector<128x64xf32>
    tpu.vector_store %arg16[%swap3A_218, %swap3A_219], %add3A_217 {strides = array<i32>} : memref<128x64xf32, #tpu.memory_space<vmem>>, vector<128x64xf32>,
    return
  }
  func.func @transform_0(%arg0: i32) -> (i32, i32, i32) {
    %c0_i32 = arith.constant 0 : i32
    %c0_i32_0 = arith.constant 0 : i32
    %c0_i32_1 = arith.constant 0 : i32
    return %arg0, %c0_i32, %c0_i32_0 : i32, i32, i32
  }
  func.func @transform_1(%arg0: i32) -> i32 {
    %c0_i32 = arith.constant 0 : i32
    %c0_i32_0 = arith.constant 0 : i32
    return %c0_i32 : i32
  }
  func.func @transform_2(%arg0: i32) -> (i32, i32) {
    %c0_i32 = arith.constant 0 : i32
    %c0_i32_0 = arith.constant 0 : i32
    %c0_i32_1 = arith.constant 0 : i32
    return %c0_i32, %c0_i32_0 : i32, i32
  }
  func.func @transform_3(%arg0: i32) -> (i32, i32) {
    %c0_i32 = arith.constant 0 : i32
    %c0_i32_0 = arith.constant 0 : i32
    %c0_i32_1 = arith.constant 0 : i32
    return %c0_i32, %c0_i32_0 : i32, i32
  }
  func.func @transform_4(%arg0: i32) -> (i32, i32) {
    %c0_i32 = arith.constant 0 : i32
    %c0_i32_0 = arith.constant 0 : i32
    %c0_i32_1 = arith.constant 0 : i32
    return %c0_i32, %c0_i32_0 : i32, i32
  }
  func.func @transform_5(%arg0: i32) -> i32 {
    %c0_i32 = arith.constant 0 : i32
    %c0_i32_0 = arith.constant 0 : i32
    return %c0_i32 : i32
  }
  func.func @transform_6(%arg0: i32) -> (i32, i32) {
    %c0_i32 = arith.constant 0 : i32
    %c0_i32_0 = arith.constant 0 : i32
    %c0_i32_1 = arith.constant 0 : i32
    return %c0_i32, %c0_i32_0 : i32, i32
  }
  func.func @transform_7(%arg0: i32) -> i32 {
    %c0_i32 = arith.constant 0 : i32
    %c0_i32_0 = arith.constant 0 : i32
    return %c0_i32 : i32
  }
  func.func @transform_8(%arg0: i32) -> (i32, i32) {
    %c0_i32 = arith.constant 0 : i32
    %c0_i32_0 = arith.constant 0 : i32
    %c0_i32_1 = arith.constant 0 : i32
    return %c0_i32, %c0_i32_0 : i32, i32
  }
  func.func @transform_9(%arg0: i32) -> i32 {
    %c0_i32 = arith.constant 0 : i32
    %c0_i32_0 = arith.constant 0 : i32
    return %c0_i32 : i32
  }
  func.func @transform_10(%arg0: i32) -> (i32, i32) {
    %c0_i32 = arith.constant 0 : i32
    %c0_i32_0 = arith.constant 0 : i32
    %c0_i32_1 = arith.constant 0 : i32
    return %c0_i32, %c0_i32_0 : i32, i32
  }
  func.func @transform_11(%arg0: i32) -> i32 {
    %c0_i32 = arith.constant 0 : i32
    %c0_i32_0 = arith.constant 0 : i32
    return %c0_i32 : i32
  }
  func.func @transform_12(%arg0: i32) -> (i32, i32) {
    %c0_i32 = arith.constant 0 : i32
    %c0_i32_0 = arith.constant 0 : i32
    %c0_i32_1 = arith.constant 0 : i32
    return %c0_i32, %c0_i32_0 : i32, i32
  }
  func.func @transform_13(%arg0: i32) -> i32 {
    %c0_i32 = arith.constant 0 : i32
    %c0_i32_0 = arith.constant 0 : i32
    return %c0_i32 : i32
  }
  func.func @transform_14(%arg0: i32) -> (i32, i32) {
    %c0_i32 = arith.constant 0 : i32
    %c0_i32_0 = arith.constant 0 : i32
    return %arg0, %c0_i32 : i32, i32
  }
  func.func @transform_15(%arg0: i32) -> (i32, i32) {
    %c0_i32 = arith.constant 0 : i32
    %c0_i32_0 = arith.constant 0 : i32
    return %arg0, %c0_i32 : i32, i32
  }
}

</mosaic_0001>

<sc_bundles>
// kernel: kernel.4.cloned.1.call-start
scs
__scs_entry_jumppad:
0x0: {  	(pc) =	sbr.rel $0x88, $3  }
0x1: {  	(tag) =	ssettag $0x0;
	lr =	simm.s32 $0x1  }
0x2: {  	[smem:$0x3F93] =	sst lr;
	_ =	strace $0xD0000000  }
0x3: {  	_ = 	snop  }
0x4: {  	_ = 	snop  }
0x5: {  	_ = 	snop  }
0x6: {  	_ = 	snop  }
0x7: {  	_ = 	snop  }
__scs_overlays_trampoline_lowered:
0x8: {  	[smem:$0x3FA2] =	sst s0  }
0x9: {  	[smem:$0x3FA3] =	sst s1  }
0xa: {  	[smem:$0x3FA4] =	sst s2  }
0xb: {  	[smem:$0x3FA5] =	sst s3  }
0xc: {  	[smem:$0x3FA6] =	sst s4  }
0xd: {  	[smem:$0x3FA7] =	sst s5  }
0xe: {  	[smem:$0x3FA8] =	sst s6  }
0xf: {  	[smem:$0x3FA9] =	sst s7  }
0x10: {  	[smem:$0x3FAA] =	sst s8  }
0x11: {  	[smem:$0x3FAB] =	sst s9;
	s0 =	simm.s32 @!p0 $0x0  }
0x12: {  	s1 =	sld [smem:$0x3F91];
	s0 =	simm.s32 @p0 $0x1  }
0x13: {  	[smem:$0x3FAC] =	sst s0;
	s0 =	simm.s32 @!p1 $0x0  }
0x14: {  	s2 =	sld [smem:$0x3F90];
	s0 =	simm.s32 @p1 $0x1  }
0x15: {  	[smem:$0x3FAD] =	sst s0;
	s0 =	simm.s32 @!p2 $0x0  }
0x16: {  	s3 =	sld [smem:$0x3FDB];
	s0 =	simm.s32 @p2 $0x1  }
0x17: {  	s4 =	simm.s32 $0x1BF5;
	[smem:$0x3FAF] =	sst s0  }
0x18: {  	s0 =	sld [smem:$0x3F92];
	_ =	swait.ge [sflag:s4], $0x0  }
0x19: {  	s7 =	sld [smem:$0x3F93]  }
0x1a: {  	s8 =	sadd.s32 $0xFFFFE003, lr  }
0x1b: {  	s9 =	sadd.s32 $0xFFFFFEF7, lr;
	s5 =	simm.s32 $0xFFFFFFFF;
	p2 =	slt.u32 s8, $0xFFFFF086  }
0x1c: {  	p1 =	slt.u32 s9, $0xF7A;
	s5 =	simm.s32 @!p2 $0x0  }
0x1d: {  	s5 =	simm.s32 @p1 $0x1;
	p0 =	seq.s32 s7, s2  }
0x1e: {  	s7 =	smul.u32 @!p0 $0xF7A, s2;
	p2 =	seq.s32 @!p0 s5, $0x0  }
0x1f: {  	s9 =	smul.u32 $0xF7A, s1;
	s8 =	simm.s32 @!p0 $0x1BF5;
	p2 =	por !p2, p0  }
0x20: {  	[sflag:s8] =	ssyncset.s32 @!p0 $0xFFFFF086;
	s6 =	sadd.s32 @!p0 s3, s7;
	s7 =	simm.s32 @!p0 $0x108  }
0x21: {  	s3 =	sadd.s32 s3, s9;
	s6 =	sadd.s32 @!p0 $0x88, s6;
	s7 =	simm.s32 @p2 $0x1082  }
0x22: {  	[simem:s7], [sflag:s8] =	dma.local @!p0 [hbm:s6], $0xF7A  }
0x23: {  	s9 =	sor.u32 $0xD0000000, s2;
	s6 =	simm.s32 $0x108;
	_ =	swait.ge @!p0 [sflag:s8], $0x0  }
0x24: {  	s3 =	sadd.s32 $0x88, s3;
	s6 =	simm.s32 @!p1 $0x1082;
	[sflag:s4] =	ssyncset.s32 $0xFFFFF086  }
0x25: {  	[simem:s6], [sflag:s4] =	dma.local [hbm:s3], $0xF7A  }
0x26: {  	[smem:$0x3F93] =	sst s1;
	(tag) =	ssettag s2;
	_ =	strace s9  }
0x27: {  	s1 =	sld [smem:$0x3FA3]  }
0x28: {  	s2 =	sld [smem:$0x3FA4]  }
0x29: {  	s4 =	sld [smem:$0x3FA6]  }
0x2a: {  	p0 =	seq.s32 s5, $0x0;
	s5 =	sld [smem:$0x3FA7]  }
0x2b: {  	s6 =	sld [smem:$0x3FA8]  }
0x2c: {  	s7 =	sld [smem:$0x3FA9]  }
0x2d: {  	s3 =	simm.s32 $0x108;
	s8 =	sld [smem:$0x3FAA]  }
0x2e: {  	s3 =	simm.s32 @!p0 $0x1082;
	s9 =	sld [smem:$0x3FAB]  }
0x2f: {  	lr =	sadd.s32 s0, s3;
	s0 =	sld [smem:$0x3FA2]  }
0x30: {  	s3 =	sld [smem:$0x3FA5]  }
0x31: {  	[smem:$0x3FAE] =	sst s10  }
0x32: {  	s10 =	sld [smem:$0x3FAC];
	_ =	sdelay $0x3  }
0x33: {  	p0 =	seq.s32 s10, $0x1;
	s10 =	sld [smem:$0x3FAE];
	_ =	sdelay $0x3  }
0x34: {  	[smem:$0x3FAE] =	sst s10  }
0x35: {  	s10 =	sld [smem:$0x3FAD];
	_ =	sdelay $0x3  }
0x36: {  	p1 =	seq.s32 s10, $0x1;
	s10 =	sld [smem:$0x3FAE];
	_ =	sdelay $0x3  }
0x37: {  	[smem:$0x3FAE] =	sst s10  }
0x38: {  	s10 =	sld [smem:$0x3FAF]  }
0x39: {  	_ = 	snop;
	(pc) =	sbr.ind lr, $3  }
0x3a: {  	_ = 	snop  }
0x3b: {  	_ = 	snop  }
0x3c: {  	p2 =	seq.s32 s10, $0x1;
	s10 =	sld [smem:$0x3FAE]  }
0x3d: {  	_ =	shalt  }
0x3e: {  	_ =	shalt  }
0x3f: {  	_ =	shalt  }
0x40: {  	_ =	shalt  }
0x41: {  	_ =	shalt  }
0x42: {  	_ =	shalt  }
0x43: {  	_ =	shalt  }
0x44: {  	_ =	shalt  }
0x45: {  	_ =	shalt  }
0x46: {  	_ =	shalt  }
0x47: {  	_ =	shalt  }
0x48: {  	_ =	shalt  }
0x49: {  	_ =	shalt  }
0x4a: {  	_ =	shalt  }
0x4b: {  	_ =	shalt  }
0x4c: {  	_ =	shalt  }
0x4d: {  	_ =	shalt  }
0x4e: {  	_ =	shalt  }
0x4f: {  	_ =	shalt  }
0x50: {  	_ =	shalt  }
0x51: {  	_ =	shalt  }
0x52: {  	_ =	shalt  }
0x53: {  	_ =	shalt  }
0x54: {  	_ =	shalt  }
0x55: {  	_ =	shalt  }
0x56: {  	_ =	shalt  }
0x57: {  	_ =	shalt  }
0x58: {  	_ =	shalt  }
0x59: {  	_ =	shalt  }
0x5a: {  	_ =	shalt  }
0x5b: {  	_ =	shalt  }
0x5c: {  	_ =	shalt  }
0x5d: {  	_ =	shalt  }
0x5e: {  	_ =	shalt  }
0x5f: {  	_ =	shalt  }
0x60: {  	_ =	shalt  }
0x61: {  	_ =	shalt  }
0x62: {  	_ =	shalt  }
0x63: {  	_ =	shalt  }
0x64: {  	_ =	shalt  }
0x65: {  	_ =	shalt  }
0x66: {  	_ =	shalt  }
0x67: {  	_ =	shalt  }
0x68: {  	_ =	shalt  }
0x69: {  	_ =	shalt  }
0x6a: {  	_ =	shalt  }
0x6b: {  	_ =	shalt  }
0x6c: {  	_ =	shalt  }
0x6d: {  	_ =	shalt  }
0x6e: {  	_ =	shalt  }
0x6f: {  	_ =	shalt  }
0x70: {  	_ =	shalt  }
0x71: {  	_ =	shalt  }
0x72: {  	_ =	shalt  }
0x73: {  	_ =	shalt  }
0x74: {  	_ =	shalt  }
0x75: {  	_ =	shalt  }
0x76: {  	_ =	shalt  }
0x77: {  	_ =	shalt  }
0x78: {  	_ =	shalt  }
0x79: {  	_ =	shalt  }
0x7a: {  	_ =	shalt  }
0x7b: {  	_ =	shalt  }
0x7c: {  	_ =	shalt  }
0x7d: {  	_ =	shalt  }
0x7e: {  	_ =	shalt  }
0x7f: {  	_ =	shalt  }
0x80: {  	_ =	shalt  }
0x81: {  	_ =	shalt  }
0x82: {  	_ =	shalt  }
0x83: {  	_ =	shalt  }
0x84: {  	_ =	shalt  }
0x85: {  	_ =	shalt  }
0x86: {  	_ =	shalt  }
0x87: {  	_ =	shalt  }
.Lfunc_end0:
.L_simem_size_0:
called_computation_lowered:
.L_overlay_start_0:
0x88: {  	s0 =	sld [smem:$0x3FD9]  }
0x89: {  	s1 =	sld [smem:$0x3FFE];
	_ =	sdelay $0x3  }
0x8a: {  	s0 =	sadd.s32 s1, s0  }
0x8b: {  	[smem:$0x3FBA] =	sst s0  }
0x8c: {  	_ = 	snop  }
0x8d: {  	s0 =	sld [smem:$0x3FD0];
	_ =	sdelay $0x2  }
0x8e: {  	s2 =	simm.s32 $0xA;
	s3 =	simm.s32 $0x10;
	s14 =	sld [smem:$0x3FC8]  }
0x8f: {  	[smem:s3], [sflag:s2] =	dma.local [hbm:s0], $0x1  }
0x90: {  	_ =	swait.eq [sflag:s2], $0x1  }
0x91: {  	[sflag:s2] =	ssyncset.done $0x0  }
0x92: {  	[sflag:s2] =	ssyncadd.s32 $0xFFFFFFFF  }
0x93: {  	s15 =	sld [smem:$0x11];
	(tm) =	ssettm $0x1  }
0x94: {  	s16 =	sld [smem:$0x3FFB];
	_ =	sdelay $0x3  }
0x95: {  	_ =	strace s16  }
0x96: {  	s2 =	sld [smem:$0x3FFC];
	_ =	sdelay $0x3  }
0x97: {  	_ =	strace s2  }
0x98: {  	s2 =	sld [smem:$0x3FFD];
	_ =	sdelay $0x3  }
0x99: {  	_ =	strace s2  }
0x9a: {  	_ =	strace $0x8FFFFFFF  }
0x9b: {  	s17 =	sld [smem:$0x3FDB];
	_ =	sdelay $0x1  }
0x9c: {  	s18 =	simm.s32 $_scs_section_size  }
0x9d: {  	s4 =	simm.s32 $_size__tile_overlayer_lowered;
	s5 =	simm.s32 $_tile_overlayer_lowered  }
0x9e: {  	s21 =	simm.s32 $0x1BFF;
	s20 =	sshll.u32 s5, $0x1;
	s2 =	sadd.s32 s18, s17  }
0x9f: {  	s6 =	simm.s32 $0x0;
	s19 =	sshll.u32 s4, $0x1;
	s4 =	sadd.s32 s20, s2  }
0xa0: {  	[timem:s6], [sflag:s21] =	dma.local [hbm:s4], s19  }
0xa1: {  	_ =	swait.ge [sflag:s21], s19  }
0xa2: {  	s3 =	ssub.s32 $0x0, s19;
	[sflag:s21] =	ssyncset.done $0x0  }
0xa3: {  	[sflag:s21] =	ssyncadd.s32 s3;
	_ =	sdelay $0x1  }
0xa4: {  	s22 =	simm.s32 $0x1B8B  }
0xa5: {  	_ =	swait.ge [sflag:s22], $0x1  }
0xa6: {  	[sflag:s22] =	ssyncset.done $0x0  }
0xa7: {  	s23 =	simm.s32 $0x1B8E;
	[sflag:s22] =	ssyncadd.s32 $0xFFFFFFFF  }
0xa8: {  	s24 =	simm.s32 $execute0_lowered;
	[smem:$0x3FD2] =	sst s23  }
0xa9: {  	s3 =	sshll.u32 s24, $0x1;
	_ =	strace $0x80000046;
	[dreg:$0x1] =	wrdreg $0xFFFFFFFF  }
0xaa: {  	s25 =	simm.s32 $_size_execute0_lowered;
	s2 =	sadd.s32 s2, s3;
	[dreg:$0x0] =	wrdreg $0x0  }
0xab: {  	s3 =	sshll.u32 s25, $0x1;
	[dreg:$0x2] =	wrdreg s2  }
0xac: {  	[dreg:$0x3] =	wrdreg s3  }
0xad: {  	[dreg:$0x4] =	wrdreg $0xC0  }
0xae: {  	_ =	task [dreg:s6], $0x5FFFF  }
0xaf: {  	[dreg:$0x1] =	wrdreg $0xFFFFFFFF  }
0xb0: {  	[dreg:$0x0] =	wrdreg $0x60  }
0xb1: {  	[dreg:$0x2] =	wrdreg s14  }
0xb2: {  	[dreg:$0x3] =	wrdreg s15  }
0xb3: {  	[dreg:$0x4] =	wrdreg $0x1C000  }
0xb4: {  	[dreg:$0x5] =	wrdreg $0x9  }
0xb5: {  	_ =	task.clear_ibuf [dreg:s6], $0x6FFFF;
	_ =	strace $0x90000046  }
0xb6: {  	s26 =	simm.s32 $0x9;
	_ =	strace $0x80000048  }
0xb7: {  	_ =	swait.ge [sflag:s26], $0x1  }
0xb8: {  	[sflag:s26] =	ssyncadd.s32 $0xFFFFFFFF  }
0xb9: {  	_ =	strace $0x90000048  }
0xba: {  	_ =	sfence  }
0xbb: {  	s28 =	sld [smem:$0x0];
	_ =	sdelay $0x1  }
0xbc: {  	s29 =	srdreg.scid  }
0xbd: {  	s30 =	sshll.u32 s29, $0xD;
	s31 =	sshrl.u32 s29, $0x2  }
0xbe: {  	s1 =	sand.u32 $0x1, s29;
	s2 =	sand.u32 $0x4000, s30;
	s0 =	sadd.s32 s31, s28  }
0xbf: {  	s1 =	sor.u32 s2, s1;
	s0 =	sshll.u32 s0, $0x11  }
0xc0: {  	s0 =	sor.u32 s0, s1  }
0xc1: {  	s0 =	sadd.s32 $0x8F2B, s0  }
0xc2: {  	[sflag:s0] =	ssyncadd.remote.s32 $0x1  }
0xc3: {  	_ =	sfence.sel $0xFFFF  }
0xc4: {  	[dreg:$0x0] =	wrdreg $0xFFFFFFFF;
	(pc) =	sbr.abs _section_cstart, $3  }
0xc5: {  	[dreg:$0x1] =	wrdreg $0xFFFFFFFF  }
0xc6: {  	_ =	task.clear_ibuf [dreg:s6], $0x2FFFF;
	_ =	strace $0x9FFFFFFF  }
0xc7: {  	(tm) =	ssettm $0x7FFFFFFF  }
tec
execute0_lowered:
.L_overlay_start_1:
0x0: {  	(tag) =	ssettag $0x1  }
0x1: {  	s4 =	rddreg [dreg:$0x0]  }
0x2: {  	s1 =	rddreg [dreg:$0x1]  }
0x3: {  	s2 =	rddreg [dreg:$0x2];
	s3 =	simm.s32 $0x0  }
0x4: {  	s5 =	stileid.u32;
	[smem:$0x7FF] =	sst s3  }
0x5: {  	s0 =	rddreg [dreg:$0x3];
	p0 =	sne.s32 s5, $0x0;
	_ =	strace $0x80000047  }
0x6: {  	_ =	sfence.sel @p0 $0x180000  }
0x7: {  	[bflag:$0x0] =	sbarrier.arrive @p0 $0xFFFF  }
0x8: {  	_ =	strace @p0 $0x90000047  }
0x9: {  	[bflag:$0x2] =	sbarrier.arrive @p0 $0xFFFF  }
0xa: {  	_ =	shalt @p0  }
.LBB2_1:
0xb: {  	s5 =	simm.s32 $0x80;
	s6 =	simm.s32 $0x100;
	s7 =	simm.s32 $0x1  }
0xc: {  	[tilespmem:s3], [sflag:$0x1] =	stream.strided.gather [hbm4b:s4+s5], $0x400, s6, s5, $0x38;
	[tilespmem:$0x1D00] =	vst v63  }
0xd: {  	_ =	swait.ge [sflag:s7], $0x400  }
0xe: {  	[sflag:s7] =	ssyncset.done $0x0  }
0xf: {  	s31 =	sadd.s32 $0x10, s4;
	s8 =	simm.s32 $0x400;
	[sflag:s7] =	ssyncadd.s32 $0xFFFFFC00  }
0x10: {  	[tilespmem:s8], [sflag:$0x1] =	stream.strided.gather [hbm4b:s31+s5], $0x400, s6, s5, $0x38;
	[tilespmem:$0x1D00] =	vst v63  }
0x11: {  	_ =	swait.ge [sflag:s7], $0x400  }
0x12: {  	[sflag:s7] =	ssyncset.done $0x0  }
0x13: {  	v0 =	vimm.f32 $0.0e+00;
	[sflag:s7] =	ssyncadd.s32 $0xFFFFFC00  }
.LBB2_2:
0x14: {  	p0 =	sne.s32 s3, $0x3FC0  }
.Ltmp0:
0x15: {  	_ = 	snop;
	(pc) =	sbr.rel @p0 .LBB2_2-.Ltmp0, $3  }
0x16: {  	_ =	sdelay $0x1  }
0x17: {  	s4 =	sshra.s32 s3, $0x2  }
0x18: {  	s3 =	sadd.s32 $0x40, s3;
	[tilespmem:s4+$0xC00] =	vst v0  }
0x19: {  	v0 =	vimm.f32 $1.000000000e+00;
	s3 =	simm.s32 $0x0;
	s4 =	simm.s32 $0x40  }
.LBB2_4:
0x1a: {  	p0 =	sne.s32 s4, $0xFC0;
	v1 =	vld [tilespmem:s3+$0x400];
	[tilespmem:s3+$0x800] =	vst v0  }
0x1b: {  	v2 =	vld [tilespmem:s3+$0x0];
	_ =	sdelay $0x1  }
.Ltmp1:
0x1c: {  	(pc) =	sbr.rel @p0 .LBB2_4-.Ltmp1, $4  }
0x1d: {  	_ = 	snop  }
0x1e: {  	v1 =	vshll.u32 v1, $0x6  }
0x1f: {  	v1 =	vadd.s32 v2, v1  }
0x20: {  	[tilespmem:s3+$0x400] =	vst v1;
	s3 =	sshra.s32 s4, $0x2;
	s4 =	sadd.s32 $0x40, s4  }
0x21: {  	v1 =	vld [tilespmem:s3+$0x400]  }
0x22: {  	v63 =	vld [tilespmem:s3+$0x0];
	_ =	sdelay $0x3  }
0x23: {  	v1 =	vshll.u32 v1, $0x6  }
0x24: {  	[tilespmem:s3+$0x800] =	vst v0;
	v0 =	vadd.s32 v63, v1  }
0x25: {  	s28 =	simm.s32 $0xC00;
	s29 =	simm.s32 $0x1;
	[tilespmem:s3+$0x400] =	vst v0  }
0x26: {  	[spmem:s2] =	stream.linear.scatter [tilespmem:s28], [sflag:$0x1], $0x1000, $0x38;
	[tilespmem:$0x1D00] =	vst v63  }
0x27: {  	_ =	swait.ge [sflag:s29], $0x1000  }
0x28: {  	[sflag:s29] =	ssyncset.done $0x0  }
0x29: {  	s4 =	simm.s32 $0x400;
	s5 =	simm.s32 $0x800;
	[sflag:s29] =	ssyncadd.s32 $0xFFFFF000  }
0x2a: {  	[spmem:s2] =	stream.indirect.scatter.add.f32 [tilespmem:s5], [sflag:$0x1], $0x1, s4, s4, $0xb8;
	[tilespmem:$0x1D00] =	vst v63  }
0x2b: {  	_ =	swait.ge [sflag:s29], $0x400  }
0x2c: {  	[sflag:s29] =	ssyncset.done $0x0  }
0x2d: {  	s30 =	sshrl.u32 s2, $0x3;
	s31 =	simm.s32 $0x1C01;
	[sflag:s29] =	ssyncadd.s32 $0xFFFFFC00  }
0x2e: {  	[hbm:s1], [sflag:s31] =	dma.local [spmem:s30], $0x200  }
0x2f: {  	_ =	swait.ge [sflag:s29], $0x200  }
0x30: {  	[sflag:s29] =	ssyncset.done $0x0  }
0x31: {  	[sflag:s29] =	ssyncadd.s32 $0xFFFFFE00  }
0x32: {  	_ =	sfence.sel $0x180000  }
0x33: {  	[bflag:$0x0] =	sbarrier.arrive $0xFFFF  }
0x34: {  	_ =	strace $0x90000047  }
0x35: {  	s0 =	sadd.s32 $0x100000, s0;
	[bflag:$0x2] =	sbarrier.arrive $0xFFFF  }
0x36: {  	[sflag:s0] =	ssyncadd.tile.s32 $0x1;
	_ =	shalt  }
.Lfunc_end2:
_tile_overlayer_lowered:
.L_overlay_start_2:
0x37: {  	(tag) =	ssettag $0x2  }
0x38: {  	s0 =	rddreg [dreg:$0x0];
	s2 =	stileid.u32  }
0x39: {  	s1 =	rddreg [dreg:$0x1];
	p0 =	sne.s32 s2, $0x0  }
0x3a: {  	s3 =	rddreg [dreg:$0x2];
	[bflag:$0x3] =	sbarrier.arrive $0xFFFF;
	s2 =	simm.s32 @!p0 $0x1C01  }
0x3b: {  	[timem:s3], [sflag:s2] =	dma.local @!p0 [hbm:s0], s1  }
0x3c: {  	s0 =	simm.s32 @!p0 $0x1  }
0x3d: {  	_ =	swait.ge @!p0 [sflag:s0], s1  }
0x3e: {  	s1 =	ssub.s32 @!p0 $0x0, s1;
	[sflag:s0] =	ssyncset.done @!p0 $0x0  }
0x3f: {  	[sflag:s0] =	ssyncadd.s32 @!p0 s1  }
0x40: {  	[bflag:$0x3] =	sbarrier.arrive $0xFFFF  }
0x41: {  	_ =	shalt  }

</sc_bundles>
